<compile_context>
chip_gen: v7x
topology: tpu7x:2x2x1
jax: 0.10.2.dev20260603
libtpu: 0.0.44.dev20260713+nightly
codegen_flags: <defaults>
</compile_context>

<pallas_src>
import functools

import jax
import jax.numpy as jnp
from jax import lax
from jax.experimental import pallas as pl
from jax.experimental.pallas import tpu as pltpu
from jax.experimental.pallas import tpu_sc as plsc

V = 9217
D = 192
DA = 128
DB = D - DA
NC = 2
NS = 16
NW = NC * NS
CHUNK = 128
NBUF = 2


@functools.partial(jax.jit, static_argnames=("batch", "seq"))
def _lookup(ids_flat, table, *, batch, seq):
    B = batch * seq
    per_w = B // NW
    G = per_w // CHUNK

    ids3 = ids_flat.reshape(NW, G, CHUNK)
    table_a = table[:, :DA]
    table_b = jnp.pad(table[:, DA:], ((0, 0), (0, DA - DB)))

    mesh = plsc.VectorSubcoreMesh(core_axis_name="c", subcore_axis_name="s")

    @functools.partial(
        pl.kernel,
        out_type=jax.ShapeDtypeStruct((B, D), jnp.float32),
        mesh=mesh,
        scratch_types=[
            pltpu.VMEM((G, CHUNK), jnp.int32),
            [pltpu.VMEM((CHUNK, DA), jnp.float32) for _ in range(NBUF)],
            [pltpu.VMEM((CHUNK, DA), jnp.float32) for _ in range(NBUF)],
            [pltpu.VMEM((CHUNK, DB), jnp.float32) for _ in range(NBUF)],
            [pltpu.SemaphoreType.DMA for _ in range(NBUF)],
            [pltpu.SemaphoreType.DMA for _ in range(NBUF)],
            [pltpu.SemaphoreType.DMA for _ in range(NBUF)],
            [pltpu.SemaphoreType.DMA for _ in range(NBUF)],
        ],
    )
    def k(ids_hbm, ta_hbm, tb_hbm, out_hbm, idx_v, bufa, bufb, bufb64,
          gsa, gsb, wsa, wsb):
        wid = lax.axis_index("s") * NC + lax.axis_index("c")
        base = wid * per_w

        pltpu.sync_copy(ids_hbm.at[wid], idx_v)

        def start_gather(g, b):
            pltpu.async_copy(ta_hbm.at[idx_v.at[g]], bufa[b], gsa[b])
            pltpu.async_copy(tb_hbm.at[idx_v.at[g]], bufb[b], gsb[b])

        def wait_gather(g, b):
            pltpu.make_async_copy(ta_hbm.at[idx_v.at[g]], bufa[b], gsa[b]).wait()
            pltpu.make_async_copy(tb_hbm.at[idx_v.at[g]], bufb[b], gsb[b]).wait()

        def compact_b(b):
            @pl.loop(0, CHUNK)
            def _(r):
                for c in range(DB // 16):
                    bufb64[b][r, pl.ds(c * 16, 16)] = (
                        bufb[b][r, pl.ds(c * 16, 16)]
                    )

        def start_write_a(g, b):
            r0 = base + g * CHUNK
            pltpu.async_copy(
                bufa[b], out_hbm.at[pl.ds(r0, CHUNK), pl.ds(0, DA)], wsa[b]
            )

        def start_write_b(g, b):
            r0 = base + g * CHUNK
            pltpu.async_copy(
                bufb64[b],
                out_hbm.at[pl.ds(r0, CHUNK), pl.ds(DA, DB)],
                wsb[b],
            )

        def wait_write(g, b):
            r0 = base + g * CHUNK
            pltpu.make_async_copy(
                bufa[b], out_hbm.at[pl.ds(r0, CHUNK), pl.ds(0, DA)], wsa[b]
            ).wait()
            pltpu.make_async_copy(
                bufb64[b],
                out_hbm.at[pl.ds(r0, CHUNK), pl.ds(DA, DB)],
                wsb[b],
            ).wait()

        start_gather(0, 0)

        @pl.loop(0, G, step=NBUF)
        def _(g0):
            for j in range(NBUF):
                g = g0 + j
                b = j
                wait_gather(g, b)
                b2 = (j + 1) % NBUF

                @pl.when(g >= 1)
                def _():
                    wait_write(g - 1, b2)

                @pl.when(g + 1 < G)
                def _():
                    start_gather(g + 1, b2)

                start_write_a(g, b)
                compact_b(b)
                start_write_b(g, b)

        wait_write(G - 1, (G - 1) % NBUF)

    return k(ids3, table_a, table_b)


def kernel(position_ids, table):
    batch, seq = position_ids.shape
    ids_flat = position_ids.reshape(-1).astype(jnp.int32)
    out = _lookup(ids_flat, table, batch=batch, seq=seq)
    return out.reshape(batch, seq, D)

# --- scband reference (transcript-rebuilt; emitter-appended) ---
"""Pipeline reference for scband-swin-position-embedding-56006373539962 (READ-ONLY COPY).

The authoritative reference and input builder live on the scoring server;
editing this copy changes nothing except your own understanding.
"""

import jax, jax.numpy as jnp
import numpy as np

NUM_EMBEDDINGS = 9217
EMBED_DIM = 192
BATCH = 16
SEQ = 9216


def setup_inputs(seed: int = 0) -> dict:
    key = jax.random.key(seed)
    k1, k2 = jax.random.split(key)
    position_ids = jax.random.randint(k1, (BATCH, SEQ), 0, NUM_EMBEDDINGS, dtype=jnp.int64 if jax.config.jax_enable_x64 else jnp.int32)
    table = jax.random.normal(k2, (NUM_EMBEDDINGS, EMBED_DIM), dtype=jnp.float32) * 0.02
    return {"position_ids": position_ids, "table": table}


def reference(position_ids, table):
    # Faithful translation of nn.Embedding lookup:
    # out[b, l, :] = table[position_ids[b, l], :]
    return jnp.take(table, position_ids, axis=0)

if __name__ == "__main__":
    import jax
    _d = setup_inputs()
    print(jax.jit(kernel)(*tuple(_d.values())))

</pallas_src>

<mosaic_0001>
#map = affine_map<(d0, d1) -> (0, 0, 0)>
#map1 = affine_map<(d0, d1) -> (0, 0)>
module attributes {stable_mosaic.version = 14 : i64} {
  func.func @k(%arg0: i32, %arg1: i32, %arg2: memref<32x36x128xi32, #tpu.memory_space<hbm>>, %arg3: memref<9217x128xf32, #tpu.memory_space<hbm>>, %arg4: memref<9217x128xf32, #tpu.memory_space<hbm>>, %arg5: memref<147456x192xf32, #tpu.memory_space<hbm>>, %arg6: memref<36x128xi32, #tpu.memory_space<vmem>>, %arg7: memref<128x128xf32, #tpu.memory_space<vmem>>, %arg8: memref<128x128xf32, #tpu.memory_space<vmem>>, %arg9: memref<128x128xf32, #tpu.memory_space<vmem>>, %arg10: memref<128x128xf32, #tpu.memory_space<vmem>>, %arg11: memref<128x64xf32, #tpu.memory_space<vmem>>, %arg12: memref<128x64xf32, #tpu.memory_space<vmem>>, %arg13: memref<!tpu.dma_semaphore, #tpu.memory_space<semaphore_mem>>, %arg14: memref<!tpu.dma_semaphore, #tpu.memory_space<semaphore_mem>>, %arg15: memref<!tpu.dma_semaphore, #tpu.memory_space<semaphore_mem>>, %arg16: memref<!tpu.dma_semaphore, #tpu.memory_space<semaphore_mem>>, %arg17: memref<!tpu.dma_semaphore, #tpu.memory_space<semaphore_mem>>, %arg18: memref<!tpu.dma_semaphore, #tpu.memory_space<semaphore_mem>>, %arg19: memref<!tpu.dma_semaphore, #tpu.memory_space<semaphore_mem>>, %arg20: memref<!tpu.dma_semaphore, #tpu.memory_space<semaphore_mem>>) attributes {dimension_semantics = [#tpu.dimension_semantics<core_parallel>, #tpu.dimension_semantics<subcore_parallel>], iteration_bounds = array<i64: 2, 16>, scalar_prefetch = 0 : i64, scratch_operands = 15 : i64, tpu.core_type = #tpu.core_type<sc_vector_subcore>, window_params = [{transform_indices = #map}, {transform_indices = #map1}, {transform_indices = #map1}, {transform_indices = #map1}]} {
    %mul3A = arith.constant 2 : i32
    %mul3A_0 = arith.muli %arg1, %mul3A : i32
    %add3A = arith.addi %mul3A_0, %arg0 : i32
    %mul3A_1 = arith.constant 4608 : i32
    %mul3A_2 = arith.muli %add3A, %mul3A_1 : i32
    "tpu.region"() ({
      %run_scoped3A = tpu.sem_alloc : memref<!tpu.dma_semaphore, #tpu.memory_space<semaphore_mem>>
      %dma_start3A_29 = arith.constant 0 : i32
      %dma_start3A_30 = arith.constant 0 : i32
      %dma_start3A_31 = tpu.memref_slice %arg2[%add3A, %dma_start3A_29, %dma_start3A_30] : memref<32x36x128xi32, #tpu.memory_space<hbm>> -> memref<1x36x128xi32, #tpu.memory_space<hbm>>
      %dma_start3A_32 = tpu.memref_squeeze %dma_start3A_31 : memref<1x36x128xi32, #tpu.memory_space<hbm>> -> memref<36x128xi32, #tpu.memory_space<hbm>>
      %dma_start3A_33 = arith.constant 0 : i32
      %dma_start3A_34 = arith.constant 0 : i32
      %dma_start3A_35 = tpu.memref_slice %arg2[%add3A, %dma_start3A_33, %dma_start3A_34] : memref<32x36x128xi32, #tpu.memory_space<hbm>> -> memref<1x36x128xi32, #tpu.memory_space<hbm>>
      %dma_start3A_36 = tpu.memref_squeeze %dma_start3A_35 : memref<1x36x128xi32, #tpu.memory_space<hbm>> -> memref<36x128xi32, #tpu.memory_space<hbm>>
      tpu.enqueue_dma source(%dma_start3A_36 : memref<36x128xi32, #tpu.memory_space<hbm>>) target(%arg6 : memref<36x128xi32, #tpu.memory_space<vmem>>) target_semaphore(%run_scoped3A : memref<!tpu.dma_semaphore, #tpu.memory_space<semaphore_mem>>)
      %dma_wait3A_37 = arith.constant 0 : i32
      %dma_wait3A_38 = arith.constant 0 : i32
      %dma_wait3A_39 = tpu.memref_slice %arg2[%add3A, %dma_wait3A_37, %dma_wait3A_38] : memref<32x36x128xi32, #tpu.memory_space<hbm>> -> memref<1x36x128xi32, #tpu.memory_space<hbm>>
      %dma_wait3A_40 = tpu.memref_squeeze %dma_wait3A_39 : memref<1x36x128xi32, #tpu.memory_space<hbm>> -> memref<36x128xi32, #tpu.memory_space<hbm>>
      %dma_wait3A_41 = arith.constant 0 : i32
      %dma_wait3A_42 = arith.constant 0 : i32
      %dma_wait3A_43 = tpu.memref_slice %arg2[%add3A, %dma_wait3A_41, %dma_wait3A_42] : memref<32x36x128xi32, #tpu.memory_space<hbm>> -> memref<1x36x128xi32, #tpu.memory_space<hbm>>
      %dma_wait3A_44 = tpu.memref_squeeze %dma_wait3A_43 : memref<1x36x128xi32, #tpu.memory_space<hbm>> -> memref<36x128xi32, #tpu.memory_space<hbm>>
      tpu.wait_dma2 semaphore(%run_scoped3A : memref<!tpu.dma_semaphore, #tpu.memory_space<semaphore_mem>>) src(%dma_wait3A_44 : memref<36x128xi32, #tpu.memory_space<hbm>>) dst(%arg6 : memref<36x128xi32, #tpu.memory_space<vmem>>)
      tpu.yield
    }) : () -> ()
    %dma_start3A = arith.constant 0 : i32
    %dma_start3A_3 = arith.constant 0 : i32
    %dma_start3A_4 = tpu.memref_slice %arg6[%dma_start3A, %dma_start3A_3] : memref<36x128xi32, #tpu.memory_space<vmem>> -> memref<1x128xi32, #tpu.memory_space<vmem>>
    %dma_start3A_5 = tpu.memref_squeeze %dma_start3A_4 : memref<1x128xi32, #tpu.memory_space<vmem>> -> memref<128xi32, #tpu.memory_space<vmem>>
    %dma_start3A_6 = arith.constant 0 : i32
    %dma_start3A_7 = arith.constant 0 : i32
    %dma_start3A_8 = tpu.memref_slice %arg3[%dma_start3A_6, %dma_start3A_7] : memref<9217x128xf32, #tpu.memory_space<hbm>> -> memref<9217x128xf32, #tpu.memory_space<hbm>>
    tpu.enqueue_indirect_dma source(%dma_start3A_8 : memref<9217x128xf32, #tpu.memory_space<hbm>>) target(%arg7 : memref<128x128xf32, #tpu.memory_space<vmem>>) offsets(%dma_start3A_5 : memref<128xi32, #tpu.memory_space<vmem>>) semaphore(%arg13 : memref<!tpu.dma_semaphore, #tpu.memory_space<semaphore_mem>>)
    %dma_start3A_9 = arith.constant 0 : i32
    %dma_start3A_10 = arith.constant 0 : i32
    %dma_start3A_11 = tpu.memref_slice %arg6[%dma_start3A_9, %dma_start3A_10] : memref<36x128xi32, #tpu.memory_space<vmem>> -> memref<1x128xi32, #tpu.memory_space<vmem>>
    %dma_start3A_12 = tpu.memref_squeeze %dma_start3A_11 : memref<1x128xi32, #tpu.memory_space<vmem>> -> memref<128xi32, #tpu.memory_space<vmem>>
    %dma_start3A_13 = arith.constant 0 : i32
    %dma_start3A_14 = arith.constant 0 : i32
    %dma_start3A_15 = tpu.memref_slice %arg4[%dma_start3A_13, %dma_start3A_14] : memref<9217x128xf32, #tpu.memory_space<hbm>> -> memref<9217x128xf32, #tpu.memory_space<hbm>>
    tpu.enqueue_indirect_dma source(%dma_start3A_15 : memref<9217x128xf32, #tpu.memory_space<hbm>>) target(%arg9 : memref<128x128xf32, #tpu.memory_space<vmem>>) offsets(%dma_start3A_12 : memref<128xi32, #tpu.memory_space<vmem>>) semaphore(%arg15 : memref<!tpu.dma_semaphore, #tpu.memory_space<semaphore_mem>>)
    %scan3A = arith.constant 0 : i32
    %scan3A_16 = arith.constant 18 : i32
    %scan3A_17 = arith.addi %scan3A, %scan3A_16 : i32
    %scan3A_18 = arith.constant 1 : i32
    scf.for %scan3A_29 = %scan3A to %scan3A_17 step %scan3A_18  : i32 {
      %mul3A_30 = arith.constant 2 : i32
      %mul3A_31 = arith.muli %scan3A_29, %mul3A_30 : i32
      %add3A_32 = arith.constant 0 : i32
      %add3A_33 = arith.addi %add3A_32, %mul3A_31 : i32
      %add3A_34 = arith.constant 0 : i32
      %add3A_35 = arith.addi %add3A_33, %add3A_34 : i32
      %dma_wait3A_36 = arith.constant 0 : i32
      %dma_wait3A_37 = tpu.memref_slice %arg6[%add3A_35, %dma_wait3A_36] : memref<36x128xi32, #tpu.memory_space<vmem>> -> memref<1x128xi32, #tpu.memory_space<vmem>>
      %dma_wait3A_38 = tpu.memref_squeeze %dma_wait3A_37 : memref<1x128xi32, #tpu.memory_space<vmem>> -> memref<128xi32, #tpu.memory_space<vmem>>
      %dma_wait3A_39 = arith.constant 0 : i32
      %dma_wait3A_40 = arith.constant 0 : i32
      %dma_wait3A_41 = tpu.memref_slice %arg3[%dma_wait3A_39, %dma_wait3A_40] : memref<9217x128xf32, #tpu.memory_space<hbm>> -> memref<9217x128xf32, #tpu.memory_space<hbm>>
      tpu.wait_indirect_dma semaphore(%arg13 : memref<!tpu.dma_semaphore, #tpu.memory_space<semaphore_mem>>) src(%dma_wait3A_41 : memref<9217x128xf32, #tpu.memory_space<hbm>>) dst(%arg7 : memref<128x128xf32, #tpu.memory_space<vmem>>)
      %dma_wait3A_42 = arith.constant 0 : i32
      %dma_wait3A_43 = tpu.memref_slice %arg6[%add3A_35, %dma_wait3A_42] : memref<36x128xi32, #tpu.memory_space<vmem>> -> memref<1x128xi32, #tpu.memory_space<vmem>>
      %dma_wait3A_44 = tpu.memref_squeeze %dma_wait3A_43 : memref<1x128xi32, #tpu.memory_space<vmem>> -> memref<128xi32, #tpu.memory_space<vmem>>
      %dma_wait3A_45 = arith.constant 0 : i32
      %dma_wait3A_46 = arith.constant 0 : i32
      %dma_wait3A_47 = tpu.memref_slice %arg4[%dma_wait3A_45, %dma_wait3A_46] : memref<9217x128xf32, #tpu.memory_space<hbm>> -> memref<9217x128xf32, #tpu.memory_space<hbm>>
      tpu.wait_indirect_dma semaphore(%arg15 : memref<!tpu.dma_semaphore, #tpu.memory_space<semaphore_mem>>) src(%dma_wait3A_47 : memref<9217x128xf32, #tpu.memory_space<hbm>>) dst(%arg9 : memref<128x128xf32, #tpu.memory_space<vmem>>)
      %ge3A = arith.constant 1 : i32
      %ge3A_48 = arith.cmpi sge, %add3A_35, %ge3A : i32
      %convert_element_type3A = arith.extui %ge3A_48 : i1 to i32
      %cond3A = arith.constant 0 : i32
      %cond3A_49 = arith.cmpi ne, %convert_element_type3A, %cond3A : i32
      scf.if %cond3A_49 {
        %sub3A = arith.constant 1 : i32
        %sub3A_120 = arith.subi %add3A_35, %sub3A : i32
        %mul3A_121 = arith.constant 128 : i32
        %mul3A_122 = arith.muli %sub3A_120, %mul3A_121 : i32
        %add3A_123 = arith.addi %mul3A_2, %mul3A_122 : i32
        %dma_wait3A_124 = arith.constant 0 : i32
        %dma_wait3A_125 = tpu.memref_slice %arg5[%add3A_123, %dma_wait3A_124] : memref<147456x192xf32, #tpu.memory_space<hbm>> -> memref<128x128xf32, #tpu.memory_space<hbm>>
        %dma_wait3A_126 = arith.constant 0 : i32
        %dma_wait3A_127 = tpu.memref_slice %arg5[%add3A_123, %dma_wait3A_126] : memref<147456x192xf32, #tpu.memory_space<hbm>> -> memref<128x128xf32, #tpu.memory_space<hbm>>
        tpu.wait_dma2 semaphore(%arg18 : memref<!tpu.dma_semaphore, #tpu.memory_space<semaphore_mem>>) src(%arg8 : memref<128x128xf32, #tpu.memory_space<vmem>>) dst(%dma_wait3A_127 : memref<128x128xf32, #tpu.memory_space<hbm>>)
        %dma_wait3A_128 = arith.constant 128 : i32
        %dma_wait3A_129 = tpu.memref_slice %arg5[%add3A_123, %dma_wait3A_128] : memref<147456x192xf32, #tpu.memory_space<hbm>> -> memref<128x64xf32, #tpu.memory_space<hbm>>
        %dma_wait3A_130 = arith.constant 128 : i32
        %dma_wait3A_131 = tpu.memref_slice %arg5[%add3A_123, %dma_wait3A_130] : memref<147456x192xf32, #tpu.memory_space<hbm>> -> memref<128x64xf32, #tpu.memory_space<hbm>>
        tpu.wait_dma2 semaphore(%arg20 : memref<!tpu.dma_semaphore, #tpu.memory_space<semaphore_mem>>) src(%arg12 : memref<128x64xf32, #tpu.memory_space<vmem>>) dst(%dma_wait3A_131 : memref<128x64xf32, #tpu.memory_space<hbm>>)
      } else {
      }
      %add3A_50 = arith.constant 1 : i32
      %add3A_51 = arith.addi %add3A_35, %add3A_50 : i32
      %lt3A = arith.constant 36 : i32
      %lt3A_52 = arith.cmpi slt, %add3A_51, %lt3A : i32
      %convert_element_type3A_53 = arith.extui %lt3A_52 : i1 to i32
      %cond3A_54 = arith.constant 0 : i32
      %cond3A_55 = arith.cmpi ne, %convert_element_type3A_53, %cond3A_54 : i32
      scf.if %cond3A_55 {
        %add3A_120 = arith.constant 1 : i32
        %add3A_121 = arith.addi %add3A_35, %add3A_120 : i32
        %dma_start3A_122 = arith.constant 0 : i32
        %dma_start3A_123 = tpu.memref_slice %arg6[%add3A_121, %dma_start3A_122] : memref<36x128xi32, #tpu.memory_space<vmem>> -> memref<1x128xi32, #tpu.memory_space<vmem>>
        %dma_start3A_124 = tpu.memref_squeeze %dma_start3A_123 : memref<1x128xi32, #tpu.memory_space<vmem>> -> memref<128xi32, #tpu.memory_space<vmem>>
        %dma_start3A_125 = arith.constant 0 : i32
        %dma_start3A_126 = arith.constant 0 : i32
        %dma_start3A_127 = tpu.memref_slice %arg3[%dma_start3A_125, %dma_start3A_126] : memref<9217x128xf32, #tpu.memory_space<hbm>> -> memref<9217x128xf32, #tpu.memory_space<hbm>>
        tpu.enqueue_indirect_dma source(%dma_start3A_127 : memref<9217x128xf32, #tpu.memory_space<hbm>>) target(%arg8 : memref<128x128xf32, #tpu.memory_space<vmem>>) offsets(%dma_start3A_124 : memref<128xi32, #tpu.memory_space<vmem>>) semaphore(%arg14 : memref<!tpu.dma_semaphore, #tpu.memory_space<semaphore_mem>>)
        %dma_start3A_128 = arith.constant 0 : i32
        %dma_start3A_129 = tpu.memref_slice %arg6[%add3A_121, %dma_start3A_128] : memref<36x128xi32, #tpu.memory_space<vmem>> -> memref<1x128xi32, #tpu.memory_space<vmem>>
        %dma_start3A_130 = tpu.memref_squeeze %dma_start3A_129 : memref<1x128xi32, #tpu.memory_space<vmem>> -> memref<128xi32, #tpu.memory_space<vmem>>
        %dma_start3A_131 = arith.constant 0 : i32
        %dma_start3A_132 = arith.constant 0 : i32
        %dma_start3A_133 = tpu.memref_slice %arg4[%dma_start3A_131, %dma_start3A_132] : memref<9217x128xf32, #tpu.memory_space<hbm>> -> memref<9217x128xf32, #tpu.memory_space<hbm>>
        tpu.enqueue_indirect_dma source(%dma_start3A_133 : memref<9217x128xf32, #tpu.memory_space<hbm>>) target(%arg10 : memref<128x128xf32, #tpu.memory_space<vmem>>) offsets(%dma_start3A_130 : memref<128xi32, #tpu.memory_space<vmem>>) semaphore(%arg16 : memref<!tpu.dma_semaphore, #tpu.memory_space<semaphore_mem>>)
      } else {
      }
      %mul3A_56 = arith.constant 128 : i32
      %mul3A_57 = arith.muli %add3A_35, %mul3A_56 : i32
      %add3A_58 = arith.addi %mul3A_2, %mul3A_57 : i32
      %dma_start3A_59 = arith.constant 0 : i32
      %dma_start3A_60 = tpu.memref_slice %arg5[%add3A_58, %dma_start3A_59] : memref<147456x192xf32, #tpu.memory_space<hbm>> -> memref<128x128xf32, #tpu.memory_space<hbm>>
      %dma_start3A_61 = arith.constant 0 : i32
      %dma_start3A_62 = tpu.memref_slice %arg5[%add3A_58, %dma_start3A_61] : memref<147456x192xf32, #tpu.memory_space<hbm>> -> memref<128x128xf32, #tpu.memory_space<hbm>>
      tpu.enqueue_dma source(%arg7 : memref<128x128xf32, #tpu.memory_space<vmem>>) target(%dma_start3A_62 : memref<128x128xf32, #tpu.memory_space<hbm>>) target_semaphore(%arg17 : memref<!tpu.dma_semaphore, #tpu.memory_space<semaphore_mem>>)
      %scan3A_63 = arith.constant 0 : i32
      %scan3A_64 = arith.constant 128 : i32
      %scan3A_65 = arith.addi %scan3A_63, %scan3A_64 : i32
      %scan3A_66 = arith.constant 1 : i32
      scf.for %scan3A_120 = %scan3A_63 to %scan3A_65 step %scan3A_66  : i32 {
        %mul3A_121 = arith.constant 1 : i32
        %mul3A_122 = arith.muli %scan3A_120, %mul3A_121 : i32
        %add3A_123 = arith.constant 0 : i32
        %add3A_124 = arith.addi %add3A_123, %mul3A_122 : i32
        %get3A = arith.index_cast %add3A_124 : i32 to index
        %get3A_125 = arith.constant 0 : index
        %get3A_126 = tpu.vector_load %arg9[%get3A, %get3A_125] {strides = array<i32>} : memref<128x128xf32, #tpu.memory_space<vmem>>, vector<1x16xf32>,
        %get3A_127 = vector.shape_cast %get3A_126 : vector<1x16xf32> to vector<16xf32>
        %swap3A = arith.index_cast %add3A_124 : i32 to index
        %swap3A_128 = arith.constant 0 : index
        %swap3A_129 = tpu.vector_load %arg11[%swap3A, %swap3A_128] {strides = array<i32>} : memref<128x64xf32, #tpu.memory_space<vmem>>, vector<1x16xf32>,
        %swap3A_130 = vector.shape_cast %swap3A_129 : vector<1x16xf32> to vector<16xf32>
        %swap3A_131 = vector.shape_cast %get3A_127 : vector<16xf32> to vector<1x16xf32>
        tpu.vector_store %arg11[%swap3A, %swap3A_128], %swap3A_131 {strides = array<i32>} : memref<128x64xf32, #tpu.memory_space<vmem>>, vector<1x16xf32>,
        %get3A_132 = arith.index_cast %add3A_124 : i32 to index
        %get3A_133 = arith.constant 16 : index
        %get3A_134 = tpu.vector_load %arg9[%get3A_132, %get3A_133] {strides = array<i32>} : memref<128x128xf32, #tpu.memory_space<vmem>>, vector<1x16xf32>,
        %get3A_135 = vector.shape_cast %get3A_134 : vector<1x16xf32> to vector<16xf32>
        %swap3A_136 = arith.index_cast %add3A_124 : i32 to index
        %swap3A_137 = arith.constant 16 : index
        %swap3A_138 = tpu.vector_load %arg11[%swap3A_136, %swap3A_137] {strides = array<i32>} : memref<128x64xf32, #tpu.memory_space<vmem>>, vector<1x16xf32>,
        %swap3A_139 = vector.shape_cast %swap3A_138 : vector<1x16xf32> to vector<16xf32>
        %swap3A_140 = vector.shape_cast %get3A_135 : vector<16xf32> to vector<1x16xf32>
        tpu.vector_store %arg11[%swap3A_136, %swap3A_137], %swap3A_140 {strides = array<i32>} : memref<128x64xf32, #tpu.memory_space<vmem>>, vector<1x16xf32>,
        %get3A_141 = arith.index_cast %add3A_124 : i32 to index
        %get3A_142 = arith.constant 32 : index
        %get3A_143 = tpu.vector_load %arg9[%get3A_141, %get3A_142] {strides = array<i32>} : memref<128x128xf32, #tpu.memory_space<vmem>>, vector<1x16xf32>,
        %get3A_144 = vector.shape_cast %get3A_143 : vector<1x16xf32> to vector<16xf32>
        %swap3A_145 = arith.index_cast %add3A_124 : i32 to index
        %swap3A_146 = arith.constant 32 : index
        %swap3A_147 = tpu.vector_load %arg11[%swap3A_145, %swap3A_146] {strides = array<i32>} : memref<128x64xf32, #tpu.memory_space<vmem>>, vector<1x16xf32>,
        %swap3A_148 = vector.shape_cast %swap3A_147 : vector<1x16xf32> to vector<16xf32>
        %swap3A_149 = vector.shape_cast %get3A_144 : vector<16xf32> to vector<1x16xf32>
        tpu.vector_store %arg11[%swap3A_145, %swap3A_146], %swap3A_149 {strides = array<i32>} : memref<128x64xf32, #tpu.memory_space<vmem>>, vector<1x16xf32>,
        %get3A_150 = arith.index_cast %add3A_124 : i32 to index
        %get3A_151 = arith.constant 48 : index
        %get3A_152 = tpu.vector_load %arg9[%get3A_150, %get3A_151] {strides = array<i32>} : memref<128x128xf32, #tpu.memory_space<vmem>>, vector<1x16xf32>,
        %get3A_153 = vector.shape_cast %get3A_152 : vector<1x16xf32> to vector<16xf32>
        %swap3A_154 = arith.index_cast %add3A_124 : i32 to index
        %swap3A_155 = arith.constant 48 : index
        %swap3A_156 = tpu.vector_load %arg11[%swap3A_154, %swap3A_155] {strides = array<i32>} : memref<128x64xf32, #tpu.memory_space<vmem>>, vector<1x16xf32>,
        %swap3A_157 = vector.shape_cast %swap3A_156 : vector<1x16xf32> to vector<16xf32>
        %swap3A_158 = vector.shape_cast %get3A_153 : vector<16xf32> to vector<1x16xf32>
        tpu.vector_store %arg11[%swap3A_154, %swap3A_155], %swap3A_158 {strides = array<i32>} : memref<128x64xf32, #tpu.memory_space<vmem>>, vector<1x16xf32>,
      }
      %scan3A_67 = arith.constant 128 : i32
      %mul3A_68 = arith.constant 128 : i32
      %mul3A_69 = arith.muli %add3A_35, %mul3A_68 : i32
      %add3A_70 = arith.addi %mul3A_2, %mul3A_69 : i32
      %dma_start3A_71 = arith.constant 128 : i32
      %dma_start3A_72 = tpu.memref_slice %arg5[%add3A_70, %dma_start3A_71] : memref<147456x192xf32, #tpu.memory_space<hbm>> -> memref<128x64xf32, #tpu.memory_space<hbm>>
      %dma_start3A_73 = arith.constant 128 : i32
      %dma_start3A_74 = tpu.memref_slice %arg5[%add3A_70, %dma_start3A_73] : memref<147456x192xf32, #tpu.memory_space<hbm>> -> memref<128x64xf32, #tpu.memory_space<hbm>>
      tpu.enqueue_dma source(%arg11 : memref<128x64xf32, #tpu.memory_space<vmem>>) target(%dma_start3A_74 : memref<128x64xf32, #tpu.memory_space<hbm>>) target_semaphore(%arg19 : memref<!tpu.dma_semaphore, #tpu.memory_space<semaphore_mem>>)
      %add3A_75 = arith.constant 1 : i32
      %add3A_76 = arith.addi %add3A_33, %add3A_75 : i32
      %dma_wait3A_77 = arith.constant 0 : i32
      %dma_wait3A_78 = tpu.memref_slice %arg6[%add3A_76, %dma_wait3A_77] : memref<36x128xi32, #tpu.memory_space<vmem>> -> memref<1x128xi32, #tpu.memory_space<vmem>>
      %dma_wait3A_79 = tpu.memref_squeeze %dma_wait3A_78 : memref<1x128xi32, #tpu.memory_space<vmem>> -> memref<128xi32, #tpu.memory_space<vmem>>
      %dma_wait3A_80 = arith.constant 0 : i32
      %dma_wait3A_81 = arith.constant 0 : i32
      %dma_wait3A_82 = tpu.memref_slice %arg3[%dma_wait3A_80, %dma_wait3A_81] : memref<9217x128xf32, #tpu.memory_space<hbm>> -> memref<9217x128xf32, #tpu.memory_space<hbm>>
      tpu.wait_indirect_dma semaphore(%arg14 : memref<!tpu.dma_semaphore, #tpu.memory_space<semaphore_mem>>) src(%dma_wait3A_82 : memref<9217x128xf32, #tpu.memory_space<hbm>>) dst(%arg8 : memref<128x128xf32, #tpu.memory_space<vmem>>)
      %dma_wait3A_83 = arith.constant 0 : i32
      %dma_wait3A_84 = tpu.memref_slice %arg6[%add3A_76, %dma_wait3A_83] : memref<36x128xi32, #tpu.memory_space<vmem>> -> memref<1x128xi32, #tpu.memory_space<vmem>>
      %dma_wait3A_85 = tpu.memref_squeeze %dma_wait3A_84 : memref<1x128xi32, #tpu.memory_space<vmem>> -> memref<128xi32, #tpu.memory_space<vmem>>
      %dma_wait3A_86 = arith.constant 0 : i32
      %dma_wait3A_87 = arith.constant 0 : i32
      %dma_wait3A_88 = tpu.memref_slice %arg4[%dma_wait3A_86, %dma_wait3A_87] : memref<9217x128xf32, #tpu.memory_space<hbm>> -> memref<9217x128xf32, #tpu.memory_space<hbm>>
      tpu.wait_indirect_dma semaphore(%arg16 : memref<!tpu.dma_semaphore, #tpu.memory_space<semaphore_mem>>) src(%dma_wait3A_88 : memref<9217x128xf32, #tpu.memory_space<hbm>>) dst(%arg10 : memref<128x128xf32, #tpu.memory_space<vmem>>)
      %ge3A_89 = arith.constant 1 : i32
      %ge3A_90 = arith.cmpi sge, %add3A_76, %ge3A_89 : i32
      %convert_element_type3A_91 = arith.extui %ge3A_90 : i1 to i32
      %cond3A_92 = arith.constant 0 : i32
      %cond3A_93 = arith.cmpi ne, %convert_element_type3A_91, %cond3A_92 : i32
      scf.if %cond3A_93 {
        %sub3A = arith.constant 1 : i32
        %sub3A_120 = arith.subi %add3A_76, %sub3A : i32
        %mul3A_121 = arith.constant 128 : i32
        %mul3A_122 = arith.muli %sub3A_120, %mul3A_121 : i32
        %add3A_123 = arith.addi %mul3A_2, %mul3A_122 : i32
        %dma_wait3A_124 = arith.constant 0 : i32
        %dma_wait3A_125 = tpu.memref_slice %arg5[%add3A_123, %dma_wait3A_124] : memref<147456x192xf32, #tpu.memory_space<hbm>> -> memref<128x128xf32, #tpu.memory_space<hbm>>
        %dma_wait3A_126 = arith.constant 0 : i32
        %dma_wait3A_127 = tpu.memref_slice %arg5[%add3A_123, %dma_wait3A_126] : memref<147456x192xf32, #tpu.memory_space<hbm>> -> memref<128x128xf32, #tpu.memory_space<hbm>>
        tpu.wait_dma2 semaphore(%arg17 : memref<!tpu.dma_semaphore, #tpu.memory_space<semaphore_mem>>) src(%arg7 : memref<128x128xf32, #tpu.memory_space<vmem>>) dst(%dma_wait3A_127 : memref<128x128xf32, #tpu.memory_space<hbm>>)
        %dma_wait3A_128 = arith.constant 128 : i32
        %dma_wait3A_129 = tpu.memref_slice %arg5[%add3A_123, %dma_wait3A_128] : memref<147456x192xf32, #tpu.memory_space<hbm>> -> memref<128x64xf32, #tpu.memory_space<hbm>>
        %dma_wait3A_130 = arith.constant 128 : i32
        %dma_wait3A_131 = tpu.memref_slice %arg5[%add3A_123, %dma_wait3A_130] : memref<147456x192xf32, #tpu.memory_space<hbm>> -> memref<128x64xf32, #tpu.memory_space<hbm>>
        tpu.wait_dma2 semaphore(%arg19 : memref<!tpu.dma_semaphore, #tpu.memory_space<semaphore_mem>>) src(%arg11 : memref<128x64xf32, #tpu.memory_space<vmem>>) dst(%dma_wait3A_131 : memref<128x64xf32, #tpu.memory_space<hbm>>)
      } else {
      }
      %add3A_94 = arith.constant 1 : i32
      %add3A_95 = arith.addi %add3A_76, %add3A_94 : i32
      %lt3A_96 = arith.constant 36 : i32
      %lt3A_97 = arith.cmpi slt, %add3A_95, %lt3A_96 : i32
      %convert_element_type3A_98 = arith.extui %lt3A_97 : i1 to i32
      %cond3A_99 = arith.constant 0 : i32
      %cond3A_100 = arith.cmpi ne, %convert_element_type3A_98, %cond3A_99 : i32
      scf.if %cond3A_100 {
        %add3A_120 = arith.constant 1 : i32
        %add3A_121 = arith.addi %add3A_76, %add3A_120 : i32
        %dma_start3A_122 = arith.constant 0 : i32
        %dma_start3A_123 = tpu.memref_slice %arg6[%add3A_121, %dma_start3A_122] : memref<36x128xi32, #tpu.memory_space<vmem>> -> memref<1x128xi32, #tpu.memory_space<vmem>>
        %dma_start3A_124 = tpu.memref_squeeze %dma_start3A_123 : memref<1x128xi32, #tpu.memory_space<vmem>> -> memref<128xi32, #tpu.memory_space<vmem>>
        %dma_start3A_125 = arith.constant 0 : i32
        %dma_start3A_126 = arith.constant 0 : i32
        %dma_start3A_127 = tpu.memref_slice %arg3[%dma_start3A_125, %dma_start3A_126] : memref<9217x128xf32, #tpu.memory_space<hbm>> -> memref<9217x128xf32, #tpu.memory_space<hbm>>
        tpu.enqueue_indirect_dma source(%dma_start3A_127 : memref<9217x128xf32, #tpu.memory_space<hbm>>) target(%arg7 : memref<128x128xf32, #tpu.memory_space<vmem>>) offsets(%dma_start3A_124 : memref<128xi32, #tpu.memory_space<vmem>>) semaphore(%arg13 : memref<!tpu.dma_semaphore, #tpu.memory_space<semaphore_mem>>)
        %dma_start3A_128 = arith.constant 0 : i32
        %dma_start3A_129 = tpu.memref_slice %arg6[%add3A_121, %dma_start3A_128] : memref<36x128xi32, #tpu.memory_space<vmem>> -> memref<1x128xi32, #tpu.memory_space<vmem>>
        %dma_start3A_130 = tpu.memref_squeeze %dma_start3A_129 : memref<1x128xi32, #tpu.memory_space<vmem>> -> memref<128xi32, #tpu.memory_space<vmem>>
        %dma_start3A_131 = arith.constant 0 : i32
        %dma_start3A_132 = arith.constant 0 : i32
        %dma_start3A_133 = tpu.memref_slice %arg4[%dma_start3A_131, %dma_start3A_132] : memref<9217x128xf32, #tpu.memory_space<hbm>> -> memref<9217x128xf32, #tpu.memory_space<hbm>>
        tpu.enqueue_indirect_dma source(%dma_start3A_133 : memref<9217x128xf32, #tpu.memory_space<hbm>>) target(%arg9 : memref<128x128xf32, #tpu.memory_space<vmem>>) offsets(%dma_start3A_130 : memref<128xi32, #tpu.memory_space<vmem>>) semaphore(%arg15 : memref<!tpu.dma_semaphore, #tpu.memory_space<semaphore_mem>>)
      } else {
      }
      %mul3A_101 = arith.constant 128 : i32
      %mul3A_102 = arith.muli %add3A_76, %mul3A_101 : i32
      %add3A_103 = arith.addi %mul3A_2, %mul3A_102 : i32
      %dma_start3A_104 = arith.constant 0 : i32
      %dma_start3A_105 = tpu.memref_slice %arg5[%add3A_103, %dma_start3A_104] : memref<147456x192xf32, #tpu.memory_space<hbm>> -> memref<128x128xf32, #tpu.memory_space<hbm>>
      %dma_start3A_106 = arith.constant 0 : i32
      %dma_start3A_107 = tpu.memref_slice %arg5[%add3A_103, %dma_start3A_106] : memref<147456x192xf32, #tpu.memory_space<hbm>> -> memref<128x128xf32, #tpu.memory_space<hbm>>
      tpu.enqueue_dma source(%arg8 : memref<128x128xf32, #tpu.memory_space<vmem>>) target(%dma_start3A_107 : memref<128x128xf32, #tpu.memory_space<hbm>>) target_semaphore(%arg18 : memref<!tpu.dma_semaphore, #tpu.memory_space<semaphore_mem>>)
      %scan3A_108 = arith.constant 0 : i32
      %scan3A_109 = arith.constant 128 : i32
      %scan3A_110 = arith.addi %scan3A_108, %scan3A_109 : i32
      %scan3A_111 = arith.constant 1 : i32
      scf.for %scan3A_120 = %scan3A_108 to %scan3A_110 step %scan3A_111  : i32 {
        %mul3A_121 = arith.constant 1 : i32
        %mul3A_122 = arith.muli %scan3A_120, %mul3A_121 : i32
        %add3A_123 = arith.constant 0 : i32
        %add3A_124 = arith.addi %add3A_123, %mul3A_122 : i32
        %get3A = arith.index_cast %add3A_124 : i32 to index
        %get3A_125 = arith.constant 0 : index
        %get3A_126 = tpu.vector_load %arg10[%get3A, %get3A_125] {strides = array<i32>} : memref<128x128xf32, #tpu.memory_space<vmem>>, vector<1x16xf32>,
        %get3A_127 = vector.shape_cast %get3A_126 : vector<1x16xf32> to vector<16xf32>
        %swap3A = arith.index_cast %add3A_124 : i32 to index
        %swap3A_128 = arith.constant 0 : index
        %swap3A_129 = tpu.vector_load %arg12[%swap3A, %swap3A_128] {strides = array<i32>} : memref<128x64xf32, #tpu.memory_space<vmem>>, vector<1x16xf32>,
        %swap3A_130 = vector.shape_cast %swap3A_129 : vector<1x16xf32> to vector<16xf32>
        %swap3A_131 = vector.shape_cast %get3A_127 : vector<16xf32> to vector<1x16xf32>
        tpu.vector_store %arg12[%swap3A, %swap3A_128], %swap3A_131 {strides = array<i32>} : memref<128x64xf32, #tpu.memory_space<vmem>>, vector<1x16xf32>,
        %get3A_132 = arith.index_cast %add3A_124 : i32 to index
        %get3A_133 = arith.constant 16 : index
        %get3A_134 = tpu.vector_load %arg10[%get3A_132, %get3A_133] {strides = array<i32>} : memref<128x128xf32, #tpu.memory_space<vmem>>, vector<1x16xf32>,
        %get3A_135 = vector.shape_cast %get3A_134 : vector<1x16xf32> to vector<16xf32>
        %swap3A_136 = arith.index_cast %add3A_124 : i32 to index
        %swap3A_137 = arith.constant 16 : index
        %swap3A_138 = tpu.vector_load %arg12[%swap3A_136, %swap3A_137] {strides = array<i32>} : memref<128x64xf32, #tpu.memory_space<vmem>>, vector<1x16xf32>,
        %swap3A_139 = vector.shape_cast %swap3A_138 : vector<1x16xf32> to vector<16xf32>
        %swap3A_140 = vector.shape_cast %get3A_135 : vector<16xf32> to vector<1x16xf32>
        tpu.vector_store %arg12[%swap3A_136, %swap3A_137], %swap3A_140 {strides = array<i32>} : memref<128x64xf32, #tpu.memory_space<vmem>>, vector<1x16xf32>,
        %get3A_141 = arith.index_cast %add3A_124 : i32 to index
        %get3A_142 = arith.constant 32 : index
        %get3A_143 = tpu.vector_load %arg10[%get3A_141, %get3A_142] {strides = array<i32>} : memref<128x128xf32, #tpu.memory_space<vmem>>, vector<1x16xf32>,
        %get3A_144 = vector.shape_cast %get3A_143 : vector<1x16xf32> to vector<16xf32>
        %swap3A_145 = arith.index_cast %add3A_124 : i32 to index
        %swap3A_146 = arith.constant 32 : index
        %swap3A_147 = tpu.vector_load %arg12[%swap3A_145, %swap3A_146] {strides = array<i32>} : memref<128x64xf32, #tpu.memory_space<vmem>>, vector<1x16xf32>,
        %swap3A_148 = vector.shape_cast %swap3A_147 : vector<1x16xf32> to vector<16xf32>
        %swap3A_149 = vector.shape_cast %get3A_144 : vector<16xf32> to vector<1x16xf32>
        tpu.vector_store %arg12[%swap3A_145, %swap3A_146], %swap3A_149 {strides = array<i32>} : memref<128x64xf32, #tpu.memory_space<vmem>>, vector<1x16xf32>,
        %get3A_150 = arith.index_cast %add3A_124 : i32 to index
        %get3A_151 = arith.constant 48 : index
        %get3A_152 = tpu.vector_load %arg10[%get3A_150, %get3A_151] {strides = array<i32>} : memref<128x128xf32, #tpu.memory_space<vmem>>, vector<1x16xf32>,
        %get3A_153 = vector.shape_cast %get3A_152 : vector<1x16xf32> to vector<16xf32>
        %swap3A_154 = arith.index_cast %add3A_124 : i32 to index
        %swap3A_155 = arith.constant 48 : index
        %swap3A_156 = tpu.vector_load %arg12[%swap3A_154, %swap3A_155] {strides = array<i32>} : memref<128x64xf32, #tpu.memory_space<vmem>>, vector<1x16xf32>,
        %swap3A_157 = vector.shape_cast %swap3A_156 : vector<1x16xf32> to vector<16xf32>
        %swap3A_158 = vector.shape_cast %get3A_153 : vector<16xf32> to vector<1x16xf32>
        tpu.vector_store %arg12[%swap3A_154, %swap3A_155], %swap3A_158 {strides = array<i32>} : memref<128x64xf32, #tpu.memory_space<vmem>>, vector<1x16xf32>,
      }
      %scan3A_112 = arith.constant 128 : i32
      %mul3A_113 = arith.constant 128 : i32
      %mul3A_114 = arith.muli %add3A_76, %mul3A_113 : i32
      %add3A_115 = arith.addi %mul3A_2, %mul3A_114 : i32
      %dma_start3A_116 = arith.constant 128 : i32
      %dma_start3A_117 = tpu.memref_slice %arg5[%add3A_115, %dma_start3A_116] : memref<147456x192xf32, #tpu.memory_space<hbm>> -> memref<128x64xf32, #tpu.memory_space<hbm>>
      %dma_start3A_118 = arith.constant 128 : i32
      %dma_start3A_119 = tpu.memref_slice %arg5[%add3A_115, %dma_start3A_118] : memref<147456x192xf32, #tpu.memory_space<hbm>> -> memref<128x64xf32, #tpu.memory_space<hbm>>
      tpu.enqueue_dma source(%arg12 : memref<128x64xf32, #tpu.memory_space<vmem>>) target(%dma_start3A_119 : memref<128x64xf32, #tpu.memory_space<hbm>>) target_semaphore(%arg20 : memref<!tpu.dma_semaphore, #tpu.memory_space<semaphore_mem>>)
    }
    %scan3A_19 = arith.constant 18 : i32
    %add3A_20 = arith.constant 4480 : i32
    %add3A_21 = arith.addi %mul3A_2, %add3A_20 : i32
    %dma_wait3A = arith.constant 0 : i32
    %dma_wait3A_22 = tpu.memref_slice %arg5[%add3A_21, %dma_wait3A] : memref<147456x192xf32, #tpu.memory_space<hbm>> -> memref<128x128xf32, #tpu.memory_space<hbm>>
    %dma_wait3A_23 = arith.constant 0 : i32
    %dma_wait3A_24 = tpu.memref_slice %arg5[%add3A_21, %dma_wait3A_23] : memref<147456x192xf32, #tpu.memory_space<hbm>> -> memref<128x128xf32, #tpu.memory_space<hbm>>
    tpu.wait_dma2 semaphore(%arg18 : memref<!tpu.dma_semaphore, #tpu.memory_space<semaphore_mem>>) src(%arg8 : memref<128x128xf32, #tpu.memory_space<vmem>>) dst(%dma_wait3A_24 : memref<128x128xf32, #tpu.memory_space<hbm>>)
    %dma_wait3A_25 = arith.constant 128 : i32
    %dma_wait3A_26 = tpu.memref_slice %arg5[%add3A_21, %dma_wait3A_25] : memref<147456x192xf32, #tpu.memory_space<hbm>> -> memref<128x64xf32, #tpu.memory_space<hbm>>
    %dma_wait3A_27 = arith.constant 128 : i32
    %dma_wait3A_28 = tpu.memref_slice %arg5[%add3A_21, %dma_wait3A_27] : memref<147456x192xf32, #tpu.memory_space<hbm>> -> memref<128x64xf32, #tpu.memory_space<hbm>>
    tpu.wait_dma2 semaphore(%arg20 : memref<!tpu.dma_semaphore, #tpu.memory_space<semaphore_mem>>) src(%arg12 : memref<128x64xf32, #tpu.memory_space<vmem>>) dst(%dma_wait3A_28 : memref<128x64xf32, #tpu.memory_space<hbm>>)
    return
  }
}

</mosaic_0001>

<sc_bundles>
// kernel: _lookup.3.cloned.1.call-start
scs
__scs_entry_jumppad:
0x0: {  	(pc) =	sbr.rel $0x88, $3  }
0x1: {  	(tag) =	ssettag $0x0;
	lr =	simm.s32 $0x1  }
0x2: {  	[smem:$0x3F9F] =	sst lr;
	_ =	strace $0xD0000000  }
0x3: {  	_ = 	snop  }
0x4: {  	_ = 	snop  }
0x5: {  	_ = 	snop  }
0x6: {  	_ = 	snop  }
0x7: {  	_ = 	snop  }
__scs_overlays_trampoline_lowered:
0x8: {  	[smem:$0x3FAE] =	sst s0  }
0x9: {  	[smem:$0x3FAF] =	sst s1  }
0xa: {  	[smem:$0x3FB0] =	sst s2  }
0xb: {  	[smem:$0x3FB1] =	sst s3  }
0xc: {  	[smem:$0x3FB2] =	sst s4  }
0xd: {  	[smem:$0x3FB3] =	sst s5  }
0xe: {  	[smem:$0x3FB4] =	sst s6  }
0xf: {  	[smem:$0x3FB5] =	sst s7  }
0x10: {  	[smem:$0x3FB6] =	sst s8  }
0x11: {  	[smem:$0x3FB7] =	sst s9;
	s0 =	simm.s32 @!p0 $0x0  }
0x12: {  	s1 =	sld [smem:$0x3F9D];
	s0 =	simm.s32 @p0 $0x1  }
0x13: {  	[smem:$0x3FB8] =	sst s0;
	s0 =	simm.s32 @!p1 $0x0  }
0x14: {  	s2 =	sld [smem:$0x3F9C];
	s0 =	simm.s32 @p1 $0x1  }
0x15: {  	[smem:$0x3FB9] =	sst s0;
	s0 =	simm.s32 @!p2 $0x0  }
0x16: {  	s3 =	sld [smem:$0x3FDB];
	s0 =	simm.s32 @p2 $0x1  }
0x17: {  	s4 =	simm.s32 $0x1BF5;
	[smem:$0x3FBB] =	sst s0  }
0x18: {  	s0 =	sld [smem:$0x3F9E];
	_ =	swait.ge [sflag:s4], $0x0  }
0x19: {  	s7 =	sld [smem:$0x3F9F]  }
0x1a: {  	s8 =	sadd.s32 $0xFFFFE003, lr  }
0x1b: {  	s9 =	sadd.s32 $0xFFFFFEF7, lr;
	s5 =	simm.s32 $0xFFFFFFFF;
	p2 =	slt.u32 s8, $0xFFFFF086  }
0x1c: {  	p1 =	slt.u32 s9, $0xF7A;
	s5 =	simm.s32 @!p2 $0x0  }
0x1d: {  	s5 =	simm.s32 @p1 $0x1;
	p0 =	seq.s32 s7, s2  }
0x1e: {  	s7 =	smul.u32 @!p0 $0xF7A, s2;
	p2 =	seq.s32 @!p0 s5, $0x0  }
0x1f: {  	s9 =	smul.u32 $0xF7A, s1;
	s8 =	simm.s32 @!p0 $0x1BF5;
	p2 =	por !p2, p0  }
0x20: {  	[sflag:s8] =	ssyncset.s32 @!p0 $0xFFFFF086;
	s6 =	sadd.s32 @!p0 s3, s7;
	s7 =	simm.s32 @!p0 $0x108  }
0x21: {  	s3 =	sadd.s32 s3, s9;
	s6 =	sadd.s32 @!p0 $0x88, s6;
	s7 =	simm.s32 @p2 $0x1082  }
0x22: {  	[simem:s7], [sflag:s8] =	dma.local @!p0 [hbm:s6], $0xF7A  }
0x23: {  	s9 =	sor.u32 $0xD0000000, s2;
	s6 =	simm.s32 $0x108;
	_ =	swait.ge @!p0 [sflag:s8], $0x0  }
0x24: {  	s3 =	sadd.s32 $0x88, s3;
	s6 =	simm.s32 @!p1 $0x1082;
	[sflag:s4] =	ssyncset.s32 $0xFFFFF086  }
0x25: {  	[simem:s6], [sflag:s4] =	dma.local [hbm:s3], $0xF7A  }
0x26: {  	[smem:$0x3F9F] =	sst s1;
	(tag) =	ssettag s2;
	_ =	strace s9  }
0x27: {  	s1 =	sld [smem:$0x3FAF]  }
0x28: {  	s2 =	sld [smem:$0x3FB0]  }
0x29: {  	s4 =	sld [smem:$0x3FB2]  }
0x2a: {  	p0 =	seq.s32 s5, $0x0;
	s5 =	sld [smem:$0x3FB3]  }
0x2b: {  	s6 =	sld [smem:$0x3FB4]  }
0x2c: {  	s7 =	sld [smem:$0x3FB5]  }
0x2d: {  	s3 =	simm.s32 $0x108;
	s8 =	sld [smem:$0x3FB6]  }
0x2e: {  	s3 =	simm.s32 @!p0 $0x1082;
	s9 =	sld [smem:$0x3FB7]  }
0x2f: {  	lr =	sadd.s32 s0, s3;
	s0 =	sld [smem:$0x3FAE]  }
0x30: {  	s3 =	sld [smem:$0x3FB1]  }
0x31: {  	[smem:$0x3FBA] =	sst s10  }
0x32: {  	s10 =	sld [smem:$0x3FB8];
	_ =	sdelay $0x3  }
0x33: {  	p0 =	seq.s32 s10, $0x1;
	s10 =	sld [smem:$0x3FBA];
	_ =	sdelay $0x3  }
0x34: {  	[smem:$0x3FBA] =	sst s10  }
0x35: {  	s10 =	sld [smem:$0x3FB9];
	_ =	sdelay $0x3  }
0x36: {  	p1 =	seq.s32 s10, $0x1;
	s10 =	sld [smem:$0x3FBA];
	_ =	sdelay $0x3  }
0x37: {  	[smem:$0x3FBA] =	sst s10  }
0x38: {  	s10 =	sld [smem:$0x3FBB]  }
0x39: {  	_ = 	snop;
	(pc) =	sbr.ind lr, $3  }
0x3a: {  	_ = 	snop  }
0x3b: {  	_ = 	snop  }
0x3c: {  	p2 =	seq.s32 s10, $0x1;
	s10 =	sld [smem:$0x3FBA]  }
0x3d: {  	_ =	shalt  }
0x3e: {  	_ =	shalt  }
0x3f: {  	_ =	shalt  }
0x40: {  	_ =	shalt  }
0x41: {  	_ =	shalt  }
0x42: {  	_ =	shalt  }
0x43: {  	_ =	shalt  }
0x44: {  	_ =	shalt  }
0x45: {  	_ =	shalt  }
0x46: {  	_ =	shalt  }
0x47: {  	_ =	shalt  }
0x48: {  	_ =	shalt  }
0x49: {  	_ =	shalt  }
0x4a: {  	_ =	shalt  }
0x4b: {  	_ =	shalt  }
0x4c: {  	_ =	shalt  }
0x4d: {  	_ =	shalt  }
0x4e: {  	_ =	shalt  }
0x4f: {  	_ =	shalt  }
0x50: {  	_ =	shalt  }
0x51: {  	_ =	shalt  }
0x52: {  	_ =	shalt  }
0x53: {  	_ =	shalt  }
0x54: {  	_ =	shalt  }
0x55: {  	_ =	shalt  }
0x56: {  	_ =	shalt  }
0x57: {  	_ =	shalt  }
0x58: {  	_ =	shalt  }
0x59: {  	_ =	shalt  }
0x5a: {  	_ =	shalt  }
0x5b: {  	_ =	shalt  }
0x5c: {  	_ =	shalt  }
0x5d: {  	_ =	shalt  }
0x5e: {  	_ =	shalt  }
0x5f: {  	_ =	shalt  }
0x60: {  	_ =	shalt  }
0x61: {  	_ =	shalt  }
0x62: {  	_ =	shalt  }
0x63: {  	_ =	shalt  }
0x64: {  	_ =	shalt  }
0x65: {  	_ =	shalt  }
0x66: {  	_ =	shalt  }
0x67: {  	_ =	shalt  }
0x68: {  	_ =	shalt  }
0x69: {  	_ =	shalt  }
0x6a: {  	_ =	shalt  }
0x6b: {  	_ =	shalt  }
0x6c: {  	_ =	shalt  }
0x6d: {  	_ =	shalt  }
0x6e: {  	_ =	shalt  }
0x6f: {  	_ =	shalt  }
0x70: {  	_ =	shalt  }
0x71: {  	_ =	shalt  }
0x72: {  	_ =	shalt  }
0x73: {  	_ =	shalt  }
0x74: {  	_ =	shalt  }
0x75: {  	_ =	shalt  }
0x76: {  	_ =	shalt  }
0x77: {  	_ =	shalt  }
0x78: {  	_ =	shalt  }
0x79: {  	_ =	shalt  }
0x7a: {  	_ =	shalt  }
0x7b: {  	_ =	shalt  }
0x7c: {  	_ =	shalt  }
0x7d: {  	_ =	shalt  }
0x7e: {  	_ =	shalt  }
0x7f: {  	_ =	shalt  }
0x80: {  	_ =	shalt  }
0x81: {  	_ =	shalt  }
0x82: {  	_ =	shalt  }
0x83: {  	_ =	shalt  }
0x84: {  	_ =	shalt  }
0x85: {  	_ =	shalt  }
0x86: {  	_ =	shalt  }
0x87: {  	_ =	shalt  }
.Lfunc_end0:
.L_simem_size_0:
called_computation_lowered:
.L_overlay_start_0:
0x88: {  	s2 =	sld [smem:$0x3FD9]  }
0x89: {  	s3 =	sld [smem:$0x3FFE];
	_ =	sdelay $0x1  }
0x8a: {  	s1 =	srdreg.scid  }
0x8b: {  	s0 =	sand.u32 $0x1, s1  }
0x8c: {  	s17 =	sshll.u32 s0, $0xA;
	s2 =	sadd.s32 s3, s2  }
0x8d: {  	s2 =	sadd.s32 s2, s17  }
0x8e: {  	[smem:$0x3FC6] =	sst s2  }
0x8f: {  	_ = 	snop  }
0x90: {  	s2 =	sld [smem:$0x3FD0];
	(tm) =	ssettm $0x1  }
0x91: {  	s18 =	sld [smem:$0x3FFB];
	_ =	sdelay $0x3  }
0x92: {  	_ =	strace s18  }
0x93: {  	s3 =	sld [smem:$0x3FFC];
	_ =	sdelay $0x3  }
0x94: {  	_ =	strace s3  }
0x95: {  	s3 =	sld [smem:$0x3FFD];
	_ =	sdelay $0x3  }
0x96: {  	_ =	strace s3  }
0x97: {  	_ =	strace $0x8FFFFFFF  }
0x98: {  	s19 =	sld [smem:$0x3FDB];
	_ =	sdelay $0x1  }
0x99: {  	s4 =	simm.s32 $_scs_section_size  }
0x9a: {  	s5 =	simm.s32 $_size__tile_overlayer_lowered;
	s6 =	simm.s32 $_tile_overlayer_lowered  }
0x9b: {  	s22 =	simm.s32 $0x1BFF;
	s21 =	sshll.u32 s6, $0x1;
	s3 =	sadd.s32 s4, s19  }
0x9c: {  	s7 =	simm.s32 $0x0;
	s20 =	sshll.u32 s5, $0x1;
	s5 =	sadd.s32 s21, s3  }
0x9d: {  	[timem:s7], [sflag:s22] =	dma.local [hbm:s5], s20  }
0x9e: {  	_ =	swait.ge [sflag:s22], s20  }
0x9f: {  	s4 =	ssub.s32 $0x0, s20;
	[sflag:s22] =	ssyncset.done $0x0  }
0xa0: {  	[sflag:s22] =	ssyncadd.s32 s4;
	_ =	sdelay $0x1  }
0xa1: {  	s23 =	simm.s32 $0x1B8B  }
0xa2: {  	_ =	swait.ge [sflag:s23], $0x1  }
0xa3: {  	[sflag:s23] =	ssyncset.done $0x0  }
0xa4: {  	s25 =	simm.s32 $0x1B8E;
	s24 =	sld [smem:$0x3FFE];
	[sflag:s23] =	ssyncadd.s32 $0xFFFFFFFF  }
0xa5: {  	s26 =	simm.s32 $execute0_lowered;
	[smem:$0x3FD2] =	sst s25  }
0xa6: {  	s5 =	sshll.u32 s26, $0x1;
	_ =	strace $0x80000046;
	[dreg:$0x1] =	wrdreg $0xFFFFFFFF  }
0xa7: {  	s28 =	simm.s32 $_size_execute0_lowered;
	s3 =	sadd.s32 s3, s5;
	[dreg:$0x0] =	wrdreg $0x0  }
0xa8: {  	s5 =	sshll.u32 s28, $0x1;
	[dreg:$0x2] =	wrdreg s3  }
0xa9: {  	[dreg:$0x3] =	wrdreg s5  }
0xaa: {  	[dreg:$0x4] =	wrdreg $0xC0  }
0xab: {  	_ =	task [dreg:s7], $0x5FFFF  }
0xac: {  	[dreg:$0x1] =	wrdreg $0xFFFFFFFF  }
0xad: {  	[dreg:$0x0] =	wrdreg $0x60  }
0xae: {  	[dreg:$0x2] =	wrdreg s24  }
0xaf: {  	[dreg:$0x3] =	wrdreg s2  }
0xb0: {  	[dreg:$0x4] =	wrdreg $0x9  }
0xb1: {  	_ =	task.clear_ibuf [dreg:s7], $0x5FFFF;
	_ =	strace $0x90000046  }
0xb2: {  	s29 =	simm.s32 $0x9;
	_ =	strace $0x80000048  }
0xb3: {  	_ =	swait.ge [sflag:s29], $0x1  }
0xb4: {  	[sflag:s29] =	ssyncadd.s32 $0xFFFFFFFF  }
0xb5: {  	_ =	strace $0x90000048  }
0xb6: {  	_ =	sfence  }
0xb7: {  	s30 =	sld [smem:$0x0];
	_ =	sdelay $0x2  }
0xb8: {  	s31 =	sshll.u32 s1, $0xD;
	s1 =	sshrl.u32 s1, $0x2  }
0xb9: {  	s3 =	sand.u32 $0x4000, s31;
	s1 =	sadd.s32 s1, s30  }
0xba: {  	s0 =	sor.u32 s3, s0;
	s1 =	sshll.u32 s1, $0x11  }
0xbb: {  	s0 =	sor.u32 s1, s0  }
0xbc: {  	s0 =	sadd.s32 $0x8F2B, s0  }
0xbd: {  	[sflag:s0] =	ssyncadd.remote.s32 $0x1  }
0xbe: {  	_ =	sfence.sel $0xFFFF  }
0xbf: {  	[dreg:$0x0] =	wrdreg $0xFFFFFFFF;
	(pc) =	sbr.abs _section_cstart, $3  }
0xc0: {  	[dreg:$0x1] =	wrdreg $0xFFFFFFFF  }
0xc1: {  	_ =	task.clear_ibuf [dreg:s7], $0x2FFFF;
	_ =	strace $0x9FFFFFFF  }
0xc2: {  	(tm) =	ssettm $0x7FFFFFFF  }
0xc3: {  	_ =	shalt  }
tec
execute0_lowered:
.L_overlay_start_1:
0x0: {  	(tag) =	ssettag $0x1  }
0x1: {  	s0 =	srdreg.scid  }
0x2: {  	s2 =	stileid.u32;
	s1 =	rddreg [dreg:$0x0];
	s10 =	simm.s32 $0x9  }
0x3: {  	s11 =	simm.s32 $0x80;
	s12 =	simm.s32 $0x1400;
	s14 =	simm.s32 $0x1  }
0x4: {  	s15 =	simm.s32 $0x3;
	s16 =	simm.s32 $0x5400;
	s17 =	simm.s32 $0xD400  }
0x5: {  	s18 =	simm.s32 $0x400;
	s19 =	simm.s32 $0x800;
	s20 =	simm.s32 $0x11400  }
0x6: {  	s21 =	simm.s32 $0x2;
	s22 =	simm.s32 $0x4;
	s23 =	simm.s32 $0x5  }
0x7: {  	s24 =	simm.s32 $0x7;
	s25 =	simm.s32 $0x15400;
	s26 =	simm.s32 $0x6  }
0x8: {  	s28 =	simm.s32 $0x8;
	s0 =	sand.u32 $0x1, s0;
	s3 =	sshll.u32 s2, $0x1  }
0x9: {  	s29 =	simm.s32 $0x0;
	s2 =	rddreg [dreg:$0x1];
	s7 =	sor.u32 s0, s3  }
0xa: {  	s3 =	simm.s32 $0x0;
	s0 =	ssub.s32 $0x2, s0;
	s4 =	smul.u32 $0x280, s7  }
0xb: {  	s5 =	sadd.s32 $0x2A000, s1;
	[smem:$0x7FF] =	sst s3;
	s8 =	sshrl.u32 s0, $0x1  }
0xc: {  	s7 =	smul.u32 $0x120000, s7;
	_ =	strace $0x80000047;
	s6 =	sadd.s32 s4, s1  }
0xd: {  	s0 =	ssub.s32 s0, s8;
	s8 =	sadd.s32 $0x2A080, s1;
	s6 =	sadd.s32 $0xE00, s6  }
0xe: {  	s4 =	sadd.s32 $0x5E00, s1;
	s9 =	smax.u32 s0, $0x1;
	[dreg:$0x3] =	wrdreg s6  }
.LBB2_1:
0xf: {  	s0 =	rddreg [dreg:$0x3]  }
0x10: {  	[tilespmem:s3], [sflag:$0x9] =	stream.linear.gather [hbm4b:s0+s3], $0x1200, $0x38;
	[tilespmem:$0x19400] =	vst v63  }
0x11: {  	_ =	swait.ge [sflag:s10], $0x1200  }
0x12: {  	[sflag:s10] =	ssyncset.done $0x0  }
0x13: {  	[sflag:s10] =	ssyncadd.s32 $0xFFFFEE00  }
0x14: {  	[tilespmem:s12], [sflag:$0x1] =	stream.indirect.gather [hbm4b:s2+s11], $0x80, s3, s11, $0xb8;
	[tilespmem:$0x19400] =	vst v63  }
0x15: {  	s31 =	simm.s32 $0x9400;
	s30 =	simm.s32 $0x0  }
0x16: {  	[tilespmem:s31], [sflag:$0x3] =	stream.indirect.gather [hbm4b:s4+s11], $0x80, s3, s11, $0xb8;
	[tilespmem:$0x19400] =	vst v63  }
.LBB2_2:
0x17: {  	_ =	swait.ge [sflag:s14], $0x4000  }
0x18: {  	[sflag:s14] =	ssyncset.done $0x0  }
0x19: {  	[sflag:s14] =	ssyncadd.s32 $0xFFFFC000  }
0x1a: {  	_ =	swait.ge [sflag:s15], $0x4000  }
0x1b: {  	p0 =	seq.s32 s30, $0x0;
	[sflag:s15] =	ssyncset.done $0x0  }
0x1c: {  	s0 =	simm.s32 @!p0 $0x6;
	[sflag:s15] =	ssyncadd.s32 $0xFFFFC000  }
0x1d: {  	_ =	swait.ge @!p0 [sflag:s0], $0x4000  }
0x1e: {  	[sflag:s0] =	ssyncset.done @!p0 $0x0  }
0x1f: {  	s1 =	sshll.u32 s30, $0x1;
	[sflag:s0] =	ssyncadd.s32 @!p0 $0xFFFFC000;
	s0 =	simm.s32 @!p0 $0x8  }
0x20: {  	s31 =	sor.u32 $0x1, s1;
	_ =	swait.ge @!p0 [sflag:s0], $0x4000  }
0x21: {  	s13 =	sshll.u32 s30, $0x10;
	s1 =	sshll.u32 s31, $0x7;
	[sflag:s0] =	ssyncset.done @!p0 $0x0  }
0x22: {  	s6 =	sand.u32 $0x3FFFFF80, s1;
	[sflag:s0] =	ssyncadd.s32 @!p0 $0xFFFFC000;
	s0 =	sadd.s32 s7, s13  }
0x23: {  	[tilespmem:s16], [sflag:$0x2] =	stream.indirect.gather [hbm4b:s2+s11], $0x80, s6, s11, $0xb8;
	[tilespmem:$0x19400] =	vst v63  }
0x24: {  	s1 =	sshrl.u32 s0, $0x3  }
0x25: {  	[tilespmem:s17], [sflag:$0x4] =	stream.indirect.gather [hbm4b:s4+s11], $0x80, s6, s11, $0xb8;
	[tilespmem:$0x19400] =	vst v63  }
0x26: {  	s0 =	sadd.s32 s5, s1  }
0x27: {  	[hbm4b:s0+s18] =	stream.strided.scatter [tilespmem:s12], [sflag:$0x5], $0x4000, s19, s18, $0x38;
	[tilespmem:$0x19400] =	vst v63  }
0x28: {  	s0 =	simm.s32 $0x0  }
0x29: {  	v0 =	vld [tilespmem:s0+$0x9430]  }
0x2a: {  	v1 =	vld [tilespmem:s0+$0x9400]  }
0x2b: {  	v2 =	vld [tilespmem:s0+$0x9410]  }
0x2c: {  	s13 =	simm.s32 $0x200;
	v3 =	vld [tilespmem:s0+$0x9420]  }
.LBB2_3:
0x2d: {  	p0 =	sne.s32 s13, $0xFE00  }
.Ltmp0:
0x2e: {  	s6 =	sshra.s32 s13, $0x2;
	s13 =	sadd.s32 $0x200, s13;
	[tilespmem:s0+$0x11430] =	vst v0;
	(pc) =	sbr.rel @p0 .LBB2_3-.Ltmp0, $4  }
0x2f: {  	v0 =	vld [tilespmem:s6+$0x9430];
	[tilespmem:s0+$0x11400] =	vst v1  }
0x30: {  	v1 =	vld [tilespmem:s6+$0x9400];
	[tilespmem:s0+$0x11410] =	vst v2  }
0x31: {  	v2 =	vld [tilespmem:s6+$0x9410];
	[tilespmem:s0+$0x11420] =	vst v3;
	s0 =	smov.u32 s6  }
0x32: {  	v3 =	vld [tilespmem:s0+$0x9420]  }
0x33: {  	_ = 	snop  }
0x34: {  	[tilespmem:s0+$0x11430] =	vst v0  }
0x35: {  	[tilespmem:s0+$0x11400] =	vst v1  }
0x36: {  	[tilespmem:s0+$0x11410] =	vst v2  }
0x37: {  	s13 =	sadd.s32 s1, s8;
	[tilespmem:s0+$0x11420] =	vst v3  }
0x38: {  	[hbm4b:s13+s18] =	stream.strided.scatter [tilespmem:s20], [sflag:$0x7], $0x4000, s19, s18, $0x38;
	[tilespmem:$0x19400] =	vst v63  }
0x39: {  	_ =	swait.ge [sflag:s21], $0x4000  }
0x3a: {  	[sflag:s21] =	ssyncset.done $0x0  }
0x3b: {  	[sflag:s21] =	ssyncadd.s32 $0xFFFFC000  }
0x3c: {  	_ =	swait.ge [sflag:s22], $0x4000  }
0x3d: {  	[sflag:s22] =	ssyncset.done $0x0  }
0x3e: {  	[sflag:s22] =	ssyncadd.s32 $0xFFFFC000  }
0x3f: {  	_ =	swait.ge [sflag:s23], $0x4000  }
0x40: {  	[sflag:s23] =	ssyncset.done $0x0  }
0x41: {  	p0 =	seq.s32 s30, $0x11;
	[sflag:s23] =	ssyncadd.s32 $0xFFFFC000  }
0x42: {  	s0 =	sshll.u32 @!p0 s30, $0x8;
	_ =	swait.ge [sflag:s24], $0x4000  }
0x43: {  	s1 =	simm.s32 @!p0 $0x80;
	s0 =	sand.u32 @!p0 $0x3FFFFF00, s0;
	[sflag:s24] =	ssyncset.done $0x0  }
0x44: {  	s6 =	simm.s32 @!p0 $0x1400;
	s0 =	sadd.s32 @!p0 $0x100, s0;
	[sflag:s24] =	ssyncadd.s32 $0xFFFFC000  }
0x45: {  	[tilespmem:s6], [sflag:$0x1] =	stream.indirect.gather @!p0 [hbm4b:s2+s1], $0x80, s0, s1, $0xb8;
	[tilespmem:$0x19400] =	vst v63  }
0x46: {  	s31 =	sshll.u32 s31, $0xF;
	s6 =	simm.s32 @!p0 $0x9400  }
0x47: {  	[tilespmem:s6], [sflag:$0x3] =	stream.indirect.gather @!p0 [hbm4b:s4+s1], $0x80, s0, s1, $0xb8;
	[tilespmem:$0x19400] =	vst v63  }
0x48: {  	s0 =	sadd.s32 s7, s31  }
0x49: {  	s1 =	sshrl.u32 s0, $0x3  }
0x4a: {  	s0 =	sadd.s32 s5, s1  }
0x4b: {  	[hbm4b:s0+s18] =	stream.strided.scatter [tilespmem:s16], [sflag:$0x6], $0x4000, s19, s18, $0x38;
	[tilespmem:$0x19400] =	vst v63  }
0x4c: {  	s0 =	simm.s32 $0x0  }
0x4d: {  	v0 =	vld [tilespmem:s0+$0xD430]  }
0x4e: {  	v1 =	vld [tilespmem:s0+$0xD400]  }
0x4f: {  	v2 =	vld [tilespmem:s0+$0xD410]  }
0x50: {  	s13 =	simm.s32 $0x200;
	v3 =	vld [tilespmem:s0+$0xD420]  }
.LBB2_5:
0x51: {  	p0 =	sne.s32 s13, $0xFE00  }
.Ltmp1:
0x52: {  	s6 =	sshra.s32 s13, $0x2;
	s13 =	sadd.s32 $0x200, s13;
	[tilespmem:s0+$0x15430] =	vst v0;
	(pc) =	sbr.rel @p0 .LBB2_5-.Ltmp1, $4  }
0x53: {  	v0 =	vld [tilespmem:s6+$0xD430];
	[tilespmem:s0+$0x15400] =	vst v1  }
0x54: {  	v1 =	vld [tilespmem:s6+$0xD400];
	[tilespmem:s0+$0x15410] =	vst v2  }
0x55: {  	v2 =	vld [tilespmem:s6+$0xD410];
	[tilespmem:s0+$0x15420] =	vst v3;
	s0 =	smov.u32 s6  }
0x56: {  	v3 =	vld [tilespmem:s0+$0xD420]  }
0x57: {  	s30 =	sadd.s32 $0x1, s30  }
0x58: {  	p0 =	sne.s32 s30, $0x12  }
.Ltmp2:
0x59: {  	[tilespmem:s0+$0x15430] =	vst v0;
	(pc) =	sbr.rel @p0 .LBB2_2-.Ltmp2, $4  }
0x5a: {  	[tilespmem:s0+$0x15400] =	vst v1  }
0x5b: {  	[tilespmem:s0+$0x15410] =	vst v2  }
0x5c: {  	s31 =	sadd.s32 s1, s8;
	[tilespmem:s0+$0x15420] =	vst v3  }
0x5d: {  	[hbm4b:s31+s18] =	stream.strided.scatter [tilespmem:s25], [sflag:$0x8], $0x4000, s19, s18, $0x38;
	[tilespmem:$0x19400] =	vst v63  }
0x5e: {  	s29 =	sadd.s32 $0x1, s29  }
0x5f: {  	_ =	swait.ge [sflag:s26], $0x4000;
	p0 =	sne.s32 s29, s9  }
.Ltmp3:
0x60: {  	[sflag:s26] =	ssyncset.done $0x0;
	(pc) =	sbr.rel @p0 .LBB2_1-.Ltmp3, $4  }
0x61: {  	[sflag:s26] =	ssyncadd.s32 $0xFFFFC000  }
0x62: {  	_ =	swait.ge [sflag:s28], $0x4000  }
0x63: {  	[sflag:s28] =	ssyncset.done $0x0  }
0x64: {  	[sflag:s28] =	ssyncadd.s32 $0xFFFFC000  }
0x65: {  	_ =	sfence.sel $0x180000  }
0x66: {  	[bflag:$0x0] =	sbarrier.arrive $0xFFFF  }
0x67: {  	_ =	strace $0x90000047  }
0x68: {  	s0 =	stileid.u32;
	[bflag:$0x2] =	sbarrier.arrive $0xFFFF  }
0x69: {  	p0 =	sne.s32 s0, $0x0;
	s0 =	rddreg [dreg:$0x2]  }
0x6a: {  	s0 =	sadd.s32 @!p0 $0x100000, s0  }
0x6b: {  	[sflag:s0] =	ssyncadd.tile.s32 @!p0 $0x1;
	_ =	shalt  }
.Lfunc_end2:
_tile_overlayer_lowered:
.L_overlay_start_2:
0x6c: {  	(tag) =	ssettag $0x2  }
0x6d: {  	s0 =	rddreg [dreg:$0x0];
	s2 =	stileid.u32  }
0x6e: {  	s1 =	rddreg [dreg:$0x1];
	p0 =	sne.s32 s2, $0x0  }
0x6f: {  	s3 =	rddreg [dreg:$0x2];
	[bflag:$0x3] =	sbarrier.arrive $0xFFFF;
	s2 =	simm.s32 @!p0 $0x1C09  }
0x70: {  	[timem:s3], [sflag:s2] =	dma.local @!p0 [hbm:s0], s1  }
0x71: {  	s0 =	simm.s32 @!p0 $0x9  }
0x72: {  	_ =	swait.ge @!p0 [sflag:s0], s1  }
0x73: {  	s1 =	ssub.s32 @!p0 $0x0, s1;
	[sflag:s0] =	ssyncset.done @!p0 $0x0  }
0x74: {  	[sflag:s0] =	ssyncadd.s32 @!p0 s1  }
0x75: {  	[bflag:$0x3] =	sbarrier.arrive $0xFFFF  }
0x76: {  	_ =	shalt  }

</sc_bundles>
